<compile_context>
chip_gen: v7x
topology: tpu7x:2x2x1
jax: 0.10.2.dev20260603
libtpu: 0.0.44.dev20260713+nightly
codegen_flags: <defaults>
</compile_context>

<pallas_src>
import jax
import jax.numpy as jnp
from jax import lax
from jax.experimental import pallas as pl
from jax.experimental.pallas import tpu as pltpu
from jax.experimental.pallas import tpu_sc as plsc

VROWS = 1000
ROW_W = 1000
SPAN = 504
COFF = 496
NB, NT = 32, 2048
TOTAL = NB * NT

_info = plsc.get_sparse_core_info()
_NC, _NS = _info.num_cores, _info.num_subcores
PER_S = TOTAL // _NS
CHUNK = 64
NCHUNK = PER_S // CHUNK
NPAIR = NCHUNK // 2
STAGE = 64


def _gather_body(idx_hbm, table_hbm, out_hbm, table_sh, idx_v, rows0, rows1,
                 semg0, semg1, sems0, sems1):
    cid = lax.axis_index("c")
    sid = lax.axis_index("s")
    col0 = cid * COFF
    pltpu.sync_copy(idx_hbm.at[sid], idx_v)

    @pl.when(sid < _NS - 1)
    def _():
        pltpu.sync_copy(
            table_hbm.at[pl.ds(sid * STAGE, STAGE), pl.ds(col0, SPAN)],
            table_sh.at[pl.ds(sid * STAGE, STAGE)])

    @pl.when(sid == _NS - 1)
    def _():
        tail0 = (_NS - 1) * STAGE
        pltpu.sync_copy(
            table_hbm.at[pl.ds(tail0, VROWS - tail0), pl.ds(col0, SPAN)],
            table_sh.at[pl.ds(tail0, VROWS - tail0)])

    plsc.subcore_barrier()

    row0 = sid * PER_S

    pltpu.async_copy(table_sh.at[idx_v.at[0]], rows0, semg0)
    pltpu.async_copy(table_sh.at[idx_v.at[1]], rows1, semg1)

    def body(i, carry):
        c0 = 2 * i
        c1 = c0 + 1
        base0 = row0 + c0 * CHUNK
        base1 = base0 + CHUNK
        pltpu.make_async_copy(table_sh.at[idx_v.at[c0]], rows0, semg0).wait()
        pltpu.async_copy(
            rows0, out_hbm.at[pl.ds(base0, CHUNK), pl.ds(col0, SPAN)], sems0)
        pltpu.make_async_copy(table_sh.at[idx_v.at[c1]], rows1, semg1).wait()
        pltpu.async_copy(
            rows1, out_hbm.at[pl.ds(base1, CHUNK), pl.ds(col0, SPAN)], sems1)

        @pl.when(i < NPAIR - 1)
        def _():
            pltpu.make_async_copy(
                rows0, out_hbm.at[pl.ds(base0, CHUNK), pl.ds(col0, SPAN)],
                sems0).wait()
            pltpu.async_copy(table_sh.at[idx_v.at[c0 + 2]], rows0, semg0)
            pltpu.make_async_copy(
                rows1, out_hbm.at[pl.ds(base1, CHUNK), pl.ds(col0, SPAN)],
                sems1).wait()
            pltpu.async_copy(table_sh.at[idx_v.at[c1 + 2]], rows1, semg1)

        return carry

    lax.fori_loop(0, NPAIR, body, 0)

    last0 = row0 + (NCHUNK - 2) * CHUNK
    pltpu.make_async_copy(
        rows0, out_hbm.at[pl.ds(last0, CHUNK), pl.ds(col0, SPAN)],
        sems0).wait()
    pltpu.make_async_copy(
        rows1, out_hbm.at[pl.ds(last0 + CHUNK, CHUNK), pl.ds(col0, SPAN)],
        sems1).wait()


@jax.jit
def kernel(inputs, table):
    idx = inputs.reshape(_NS, NCHUNK, CHUNK)
    mesh = plsc.VectorSubcoreMesh(core_axis_name="c", subcore_axis_name="s")
    out = pl.kernel(
        _gather_body,
        out_type=jax.ShapeDtypeStruct((TOTAL, ROW_W), jnp.float32),
        scratch_types=[
            pltpu.VMEM_SHARED((VROWS, SPAN), jnp.float32),
            pltpu.VMEM((NCHUNK, CHUNK), jnp.int32),
            pltpu.VMEM((CHUNK, SPAN), jnp.float32),
            pltpu.VMEM((CHUNK, SPAN), jnp.float32),
            pltpu.SemaphoreType.DMA,
            pltpu.SemaphoreType.DMA,
            pltpu.SemaphoreType.DMA,
            pltpu.SemaphoreType.DMA,
        ],
        mesh=mesh,
        compiler_params=pltpu.CompilerParams(use_tc_tiling_on_sc=False),
    )(idx, table)
    logits = out.reshape(NB, NT, ROW_W)
    loss = jnp.zeros((0,), dtype=jnp.float32)
    return (logits, loss)

# --- scband reference (transcript-rebuilt; emitter-appended) ---
"""Pipeline reference for scband-bigram-language-model-42932493091465 (READ-ONLY COPY).

The authoritative reference and input builder live on the scoring server;
editing this copy changes nothing except your own understanding.
"""

import jax, jax.numpy as jnp
import numpy as np

VOCAB = 1000
B, T = 32, 2048

def setup_inputs(seed: int = 0) -> dict:
    key = jax.random.key(seed)
    k1, k2 = jax.random.split(key)
    inputs = jax.random.randint(k1, (B, T), 0, VOCAB, dtype=jnp.int32)
    # learned parameter: nn.Embedding(vocab_size, vocab_size) weight
    table = jax.random.normal(k2, (VOCAB, VOCAB), dtype=jnp.float32)
    return {"inputs": inputs, "table": table}

def reference(inputs, table):
    # logits = self.token_embedding_table(inputs)
    logits = jnp.take(table, inputs, axis=0)  # [B, T, C]
    # targets is None branch: loss = torch.zeros(size=(0,))
    loss = jnp.zeros((0,), dtype=jnp.float32)
    return (logits, loss)

if __name__ == "__main__":
    import jax
    _d = setup_inputs()
    print(jax.jit(kernel)(*tuple(_d.values())))

</pallas_src>

<mosaic_0001>
#map = affine_map<(d0, d1) -> (0, 0, 0)>
#map1 = affine_map<(d0, d1) -> (0, 0)>
module attributes {stable_mosaic.version = 14 : i64} {
  func.func @_gather_body(%arg0: i32, %arg1: i32, %arg2: memref<16x64x64xi32, #tpu.memory_space<hbm>>, %arg3: memref<1000x1000xf32, #tpu.memory_space<hbm>>, %arg4: memref<65536x1000xf32, #tpu.memory_space<hbm>>, %arg5: memref<1000x504xf32, #tpu.memory_space<vmem_shared>>, %arg6: memref<64x64xi32, #tpu.memory_space<vmem>>, %arg7: memref<64x504xf32, #tpu.memory_space<vmem>>, %arg8: memref<64x504xf32, #tpu.memory_space<vmem>>, %arg9: memref<!tpu.dma_semaphore, #tpu.memory_space<semaphore_mem>>, %arg10: memref<!tpu.dma_semaphore, #tpu.memory_space<semaphore_mem>>, %arg11: memref<!tpu.dma_semaphore, #tpu.memory_space<semaphore_mem>>, %arg12: memref<!tpu.dma_semaphore, #tpu.memory_space<semaphore_mem>>) attributes {dimension_semantics = [#tpu.dimension_semantics<core_parallel>, #tpu.dimension_semantics<subcore_parallel>], iteration_bounds = array<i64: 2, 16>, scalar_prefetch = 0 : i64, scratch_operands = 8 : i64, tpu.core_type = #tpu.core_type<sc_vector_subcore>, window_params = [{transform_indices = #map}, {transform_indices = #map1}, {transform_indices = #map1}]} {
    %mul3A = arith.constant 496 : i32
    %mul3A_0 = arith.muli %arg0, %mul3A : i32
    "tpu.region"() ({
      %run_scoped3A = tpu.sem_alloc : memref<!tpu.dma_semaphore, #tpu.memory_space<semaphore_mem>>
      %dma_start3A_33 = arith.constant 0 : i32
      %dma_start3A_34 = arith.constant 0 : i32
      %dma_start3A_35 = tpu.memref_slice %arg2[%arg1, %dma_start3A_33, %dma_start3A_34] : memref<16x64x64xi32, #tpu.memory_space<hbm>> -> memref<1x64x64xi32, #tpu.memory_space<hbm>>
      %dma_start3A_36 = tpu.memref_squeeze %dma_start3A_35 : memref<1x64x64xi32, #tpu.memory_space<hbm>> -> memref<64x64xi32, #tpu.memory_space<hbm>>
      %dma_start3A_37 = arith.constant 0 : i32
      %dma_start3A_38 = arith.constant 0 : i32
      %dma_start3A_39 = tpu.memref_slice %arg2[%arg1, %dma_start3A_37, %dma_start3A_38] : memref<16x64x64xi32, #tpu.memory_space<hbm>> -> memref<1x64x64xi32, #tpu.memory_space<hbm>>
      %dma_start3A_40 = tpu.memref_squeeze %dma_start3A_39 : memref<1x64x64xi32, #tpu.memory_space<hbm>> -> memref<64x64xi32, #tpu.memory_space<hbm>>
      tpu.enqueue_dma source(%dma_start3A_40 : memref<64x64xi32, #tpu.memory_space<hbm>>) target(%arg6 : memref<64x64xi32, #tpu.memory_space<vmem>>) target_semaphore(%run_scoped3A : memref<!tpu.dma_semaphore, #tpu.memory_space<semaphore_mem>>)
      %dma_wait3A_41 = arith.constant 0 : i32
      %dma_wait3A_42 = arith.constant 0 : i32
      %dma_wait3A_43 = tpu.memref_slice %arg2[%arg1, %dma_wait3A_41, %dma_wait3A_42] : memref<16x64x64xi32, #tpu.memory_space<hbm>> -> memref<1x64x64xi32, #tpu.memory_space<hbm>>
      %dma_wait3A_44 = tpu.memref_squeeze %dma_wait3A_43 : memref<1x64x64xi32, #tpu.memory_space<hbm>> -> memref<64x64xi32, #tpu.memory_space<hbm>>
      %dma_wait3A_45 = arith.constant 0 : i32
      %dma_wait3A_46 = arith.constant 0 : i32
      %dma_wait3A_47 = tpu.memref_slice %arg2[%arg1, %dma_wait3A_45, %dma_wait3A_46] : memref<16x64x64xi32, #tpu.memory_space<hbm>> -> memref<1x64x64xi32, #tpu.memory_space<hbm>>
      %dma_wait3A_48 = tpu.memref_squeeze %dma_wait3A_47 : memref<1x64x64xi32, #tpu.memory_space<hbm>> -> memref<64x64xi32, #tpu.memory_space<hbm>>
      tpu.wait_dma2 semaphore(%run_scoped3A : memref<!tpu.dma_semaphore, #tpu.memory_space<semaphore_mem>>) src(%dma_wait3A_48 : memref<64x64xi32, #tpu.memory_space<hbm>>) dst(%arg6 : memref<64x64xi32, #tpu.memory_space<vmem>>)
      tpu.yield
    }) : () -> ()
    %lt3A = arith.constant 15 : i32
    %lt3A_1 = arith.cmpi slt, %arg1, %lt3A : i32
    %convert_element_type3A = arith.extui %lt3A_1 : i1 to i32
    %cond3A = arith.constant 0 : i32
    %cond3A_2 = arith.cmpi ne, %convert_element_type3A, %cond3A : i32
    scf.if %cond3A_2 {
      %mul3A_33 = arith.constant 64 : i32
      %mul3A_34 = arith.muli %arg1, %mul3A_33 : i32
      %mul3A_35 = arith.constant 64 : i32
      %mul3A_36 = arith.muli %arg1, %mul3A_35 : i32
      "tpu.region"() ({
        %run_scoped3A = tpu.sem_alloc : memref<!tpu.dma_semaphore, #tpu.memory_space<semaphore_mem>>
        %dma_start3A_37 = arith.constant 0 : i32
        %dma_start3A_38 = tpu.memref_slice %arg5[%mul3A_36, %dma_start3A_37] : memref<1000x504xf32, #tpu.memory_space<vmem_shared>> -> memref<64x504xf32, #tpu.memory_space<vmem_shared>>
        %dma_start3A_39 = tpu.memref_slice %arg3[%mul3A_34, %mul3A_0] : memref<1000x1000xf32, #tpu.memory_space<hbm>> -> memref<64x504xf32, #tpu.memory_space<hbm>>
        tpu.enqueue_dma source(%dma_start3A_39 : memref<64x504xf32, #tpu.memory_space<hbm>>) target(%dma_start3A_38 : memref<64x504xf32, #tpu.memory_space<vmem_shared>>) target_semaphore(%run_scoped3A : memref<!tpu.dma_semaphore, #tpu.memory_space<semaphore_mem>>)
        %dma_wait3A_40 = arith.constant 0 : i32
        %dma_wait3A_41 = tpu.memref_slice %arg5[%mul3A_36, %dma_wait3A_40] : memref<1000x504xf32, #tpu.memory_space<vmem_shared>> -> memref<64x504xf32, #tpu.memory_space<vmem_shared>>
        %dma_wait3A_42 = tpu.memref_slice %arg3[%mul3A_34, %mul3A_0] : memref<1000x1000xf32, #tpu.memory_space<hbm>> -> memref<64x504xf32, #tpu.memory_space<hbm>>
        tpu.wait_dma2 semaphore(%run_scoped3A : memref<!tpu.dma_semaphore, #tpu.memory_space<semaphore_mem>>) src(%dma_wait3A_42 : memref<64x504xf32, #tpu.memory_space<hbm>>) dst(%dma_wait3A_41 : memref<64x504xf32, #tpu.memory_space<vmem_shared>>)
        tpu.yield
      }) : () -> ()
    } else {
    }
    %eq3A = arith.constant 15 : i32
    %eq3A_3 = arith.cmpi eq, %arg1, %eq3A : i32
    %convert_element_type3A_4 = arith.extui %eq3A_3 : i1 to i32
    %cond3A_5 = arith.constant 0 : i32
    %cond3A_6 = arith.cmpi ne, %convert_element_type3A_4, %cond3A_5 : i32
    scf.if %cond3A_6 {
      "tpu.region"() ({
        %run_scoped3A = tpu.sem_alloc : memref<!tpu.dma_semaphore, #tpu.memory_space<semaphore_mem>>
        %dma_start3A_33 = arith.constant 960 : i32
        %dma_start3A_34 = arith.constant 0 : i32
        %dma_start3A_35 = tpu.memref_slice %arg5[%dma_start3A_33, %dma_start3A_34] : memref<1000x504xf32, #tpu.memory_space<vmem_shared>> -> memref<40x504xf32, #tpu.memory_space<vmem_shared>>
        %dma_start3A_36 = arith.constant 960 : i32
        %dma_start3A_37 = tpu.memref_slice %arg3[%dma_start3A_36, %mul3A_0] : memref<1000x1000xf32, #tpu.memory_space<hbm>> -> memref<40x504xf32, #tpu.memory_space<hbm>>
        tpu.enqueue_dma source(%dma_start3A_37 : memref<40x504xf32, #tpu.memory_space<hbm>>) target(%dma_start3A_35 : memref<40x504xf32, #tpu.memory_space<vmem_shared>>) target_semaphore(%run_scoped3A : memref<!tpu.dma_semaphore, #tpu.memory_space<semaphore_mem>>)
        %dma_wait3A_38 = arith.constant 960 : i32
        %dma_wait3A_39 = arith.constant 0 : i32
        %dma_wait3A_40 = tpu.memref_slice %arg5[%dma_wait3A_38, %dma_wait3A_39] : memref<1000x504xf32, #tpu.memory_space<vmem_shared>> -> memref<40x504xf32, #tpu.memory_space<vmem_shared>>
        %dma_wait3A_41 = arith.constant 960 : i32
        %dma_wait3A_42 = tpu.memref_slice %arg3[%dma_wait3A_41, %mul3A_0] : memref<1000x1000xf32, #tpu.memory_space<hbm>> -> memref<40x504xf32, #tpu.memory_space<hbm>>
        tpu.wait_dma2 semaphore(%run_scoped3A : memref<!tpu.dma_semaphore, #tpu.memory_space<semaphore_mem>>) src(%dma_wait3A_42 : memref<40x504xf32, #tpu.memory_space<hbm>>) dst(%dma_wait3A_40 : memref<40x504xf32, #tpu.memory_space<vmem_shared>>)
        tpu.yield
      }) : () -> ()
    } else {
    }
    %barrier3A = arith.constant 0 : index
    tpu.barrier barrier_id(%barrier3A)
    %mul3A_7 = arith.constant 4096 : i32
    %mul3A_8 = arith.muli %arg1, %mul3A_7 : i32
    %dma_start3A = arith.constant 0 : i32
    %dma_start3A_9 = arith.constant 0 : i32
    %dma_start3A_10 = tpu.memref_slice %arg6[%dma_start3A, %dma_start3A_9] : memref<64x64xi32, #tpu.memory_space<vmem>> -> memref<1x64xi32, #tpu.memory_space<vmem>>
    %dma_start3A_11 = tpu.memref_squeeze %dma_start3A_10 : memref<1x64xi32, #tpu.memory_space<vmem>> -> memref<64xi32, #tpu.memory_space<vmem>>
    %dma_start3A_12 = arith.constant 0 : i32
    %dma_start3A_13 = arith.constant 0 : i32
    %dma_start3A_14 = tpu.memref_slice %arg5[%dma_start3A_12, %dma_start3A_13] : memref<1000x504xf32, #tpu.memory_space<vmem_shared>> -> memref<1000x504xf32, #tpu.memory_space<vmem_shared>>
    tpu.enqueue_indirect_dma source(%dma_start3A_14 : memref<1000x504xf32, #tpu.memory_space<vmem_shared>>) target(%arg7 : memref<64x504xf32, #tpu.memory_space<vmem>>) offsets(%dma_start3A_11 : memref<64xi32, #tpu.memory_space<vmem>>) semaphore(%arg9 : memref<!tpu.dma_semaphore, #tpu.memory_space<semaphore_mem>>)
    %dma_start3A_15 = arith.constant 1 : i32
    %dma_start3A_16 = arith.constant 0 : i32
    %dma_start3A_17 = tpu.memref_slice %arg6[%dma_start3A_15, %dma_start3A_16] : memref<64x64xi32, #tpu.memory_space<vmem>> -> memref<1x64xi32, #tpu.memory_space<vmem>>
    %dma_start3A_18 = tpu.memref_squeeze %dma_start3A_17 : memref<1x64xi32, #tpu.memory_space<vmem>> -> memref<64xi32, #tpu.memory_space<vmem>>
    %dma_start3A_19 = arith.constant 0 : i32
    %dma_start3A_20 = arith.constant 0 : i32
    %dma_start3A_21 = tpu.memref_slice %arg5[%dma_start3A_19, %dma_start3A_20] : memref<1000x504xf32, #tpu.memory_space<vmem_shared>> -> memref<1000x504xf32, #tpu.memory_space<vmem_shared>>
    tpu.enqueue_indirect_dma source(%dma_start3A_21 : memref<1000x504xf32, #tpu.memory_space<vmem_shared>>) target(%arg8 : memref<64x504xf32, #tpu.memory_space<vmem>>) offsets(%dma_start3A_18 : memref<64xi32, #tpu.memory_space<vmem>>) semaphore(%arg10 : memref<!tpu.dma_semaphore, #tpu.memory_space<semaphore_mem>>)
    %scan3A = arith.constant 0 : i32
    %scan3A_22 = arith.constant 0 : i32
    %scan3A_23 = arith.constant 32 : i32
    %scan3A_24 = arith.addi %scan3A_22, %scan3A_23 : i32
    %scan3A_25 = arith.constant 1 : i32
    scf.for %scan3A_33 = %scan3A_22 to %scan3A_24 step %scan3A_25  : i32 {
      %mul3A_34 = arith.constant 2 : i32
      %mul3A_35 = arith.muli %mul3A_34, %scan3A_33 : i32
      %add3A_36 = arith.constant 1 : i32
      %add3A_37 = arith.addi %mul3A_35, %add3A_36 : i32
      %mul3A_38 = arith.constant 64 : i32
      %mul3A_39 = arith.muli %mul3A_35, %mul3A_38 : i32
      %add3A_40 = arith.addi %mul3A_8, %mul3A_39 : i32
      %add3A_41 = arith.constant 64 : i32
      %add3A_42 = arith.addi %add3A_40, %add3A_41 : i32
      %dma_wait3A_43 = arith.constant 0 : i32
      %dma_wait3A_44 = tpu.memref_slice %arg6[%mul3A_35, %dma_wait3A_43] : memref<64x64xi32, #tpu.memory_space<vmem>> -> memref<1x64xi32, #tpu.memory_space<vmem>>
      %dma_wait3A_45 = tpu.memref_squeeze %dma_wait3A_44 : memref<1x64xi32, #tpu.memory_space<vmem>> -> memref<64xi32, #tpu.memory_space<vmem>>
      %dma_wait3A_46 = arith.constant 0 : i32
      %dma_wait3A_47 = arith.constant 0 : i32
      %dma_wait3A_48 = tpu.memref_slice %arg5[%dma_wait3A_46, %dma_wait3A_47] : memref<1000x504xf32, #tpu.memory_space<vmem_shared>> -> memref<1000x504xf32, #tpu.memory_space<vmem_shared>>
      tpu.wait_indirect_dma semaphore(%arg9 : memref<!tpu.dma_semaphore, #tpu.memory_space<semaphore_mem>>) src(%dma_wait3A_48 : memref<1000x504xf32, #tpu.memory_space<vmem_shared>>) dst(%arg7 : memref<64x504xf32, #tpu.memory_space<vmem>>)
      %dma_start3A_49 = tpu.memref_slice %arg4[%add3A_40, %mul3A_0] : memref<65536x1000xf32, #tpu.memory_space<hbm>> -> memref<64x504xf32, #tpu.memory_space<hbm>>
      %dma_start3A_50 = tpu.memref_slice %arg4[%add3A_40, %mul3A_0] : memref<65536x1000xf32, #tpu.memory_space<hbm>> -> memref<64x504xf32, #tpu.memory_space<hbm>>
      tpu.enqueue_dma source(%arg7 : memref<64x504xf32, #tpu.memory_space<vmem>>) target(%dma_start3A_50 : memref<64x504xf32, #tpu.memory_space<hbm>>) target_semaphore(%arg11 : memref<!tpu.dma_semaphore, #tpu.memory_space<semaphore_mem>>)
      %dma_wait3A_51 = arith.constant 0 : i32
      %dma_wait3A_52 = tpu.memref_slice %arg6[%add3A_37, %dma_wait3A_51] : memref<64x64xi32, #tpu.memory_space<vmem>> -> memref<1x64xi32, #tpu.memory_space<vmem>>
      %dma_wait3A_53 = tpu.memref_squeeze %dma_wait3A_52 : memref<1x64xi32, #tpu.memory_space<vmem>> -> memref<64xi32, #tpu.memory_space<vmem>>
      %dma_wait3A_54 = arith.constant 0 : i32
      %dma_wait3A_55 = arith.constant 0 : i32
      %dma_wait3A_56 = tpu.memref_slice %arg5[%dma_wait3A_54, %dma_wait3A_55] : memref<1000x504xf32, #tpu.memory_space<vmem_shared>> -> memref<1000x504xf32, #tpu.memory_space<vmem_shared>>
      tpu.wait_indirect_dma semaphore(%arg10 : memref<!tpu.dma_semaphore, #tpu.memory_space<semaphore_mem>>) src(%dma_wait3A_56 : memref<1000x504xf32, #tpu.memory_space<vmem_shared>>) dst(%arg8 : memref<64x504xf32, #tpu.memory_space<vmem>>)
      %dma_start3A_57 = tpu.memref_slice %arg4[%add3A_42, %mul3A_0] : memref<65536x1000xf32, #tpu.memory_space<hbm>> -> memref<64x504xf32, #tpu.memory_space<hbm>>
      %dma_start3A_58 = tpu.memref_slice %arg4[%add3A_42, %mul3A_0] : memref<65536x1000xf32, #tpu.memory_space<hbm>> -> memref<64x504xf32, #tpu.memory_space<hbm>>
      tpu.enqueue_dma source(%arg8 : memref<64x504xf32, #tpu.memory_space<vmem>>) target(%dma_start3A_58 : memref<64x504xf32, #tpu.memory_space<hbm>>) target_semaphore(%arg12 : memref<!tpu.dma_semaphore, #tpu.memory_space<semaphore_mem>>)
      %lt3A_59 = arith.constant 31 : i32
      %lt3A_60 = arith.cmpi slt, %scan3A_33, %lt3A_59 : i32
      %convert_element_type3A_61 = arith.extui %lt3A_60 : i1 to i32
      %cond3A_62 = arith.constant 0 : i32
      %cond3A_63 = arith.cmpi ne, %convert_element_type3A_61, %cond3A_62 : i32
      scf.if %cond3A_63 {
        %dma_wait3A_64 = tpu.memref_slice %arg4[%add3A_40, %mul3A_0] : memref<65536x1000xf32, #tpu.memory_space<hbm>> -> memref<64x504xf32, #tpu.memory_space<hbm>>
        %dma_wait3A_65 = tpu.memref_slice %arg4[%add3A_40, %mul3A_0] : memref<65536x1000xf32, #tpu.memory_space<hbm>> -> memref<64x504xf32, #tpu.memory_space<hbm>>
        tpu.wait_dma2 semaphore(%arg11 : memref<!tpu.dma_semaphore, #tpu.memory_space<semaphore_mem>>) src(%arg7 : memref<64x504xf32, #tpu.memory_space<vmem>>) dst(%dma_wait3A_65 : memref<64x504xf32, #tpu.memory_space<hbm>>)
        %add3A_66 = arith.constant 2 : i32
        %add3A_67 = arith.addi %mul3A_35, %add3A_66 : i32
        %dma_start3A_68 = arith.constant 0 : i32
        %dma_start3A_69 = tpu.memref_slice %arg6[%add3A_67, %dma_start3A_68] : memref<64x64xi32, #tpu.memory_space<vmem>> -> memref<1x64xi32, #tpu.memory_space<vmem>>
        %dma_start3A_70 = tpu.memref_squeeze %dma_start3A_69 : memref<1x64xi32, #tpu.memory_space<vmem>> -> memref<64xi32, #tpu.memory_space<vmem>>
        %dma_start3A_71 = arith.constant 0 : i32
        %dma_start3A_72 = arith.constant 0 : i32
        %dma_start3A_73 = tpu.memref_slice %arg5[%dma_start3A_71, %dma_start3A_72] : memref<1000x504xf32, #tpu.memory_space<vmem_shared>> -> memref<1000x504xf32, #tpu.memory_space<vmem_shared>>
        tpu.enqueue_indirect_dma source(%dma_start3A_73 : memref<1000x504xf32, #tpu.memory_space<vmem_shared>>) target(%arg7 : memref<64x504xf32, #tpu.memory_space<vmem>>) offsets(%dma_start3A_70 : memref<64xi32, #tpu.memory_space<vmem>>) semaphore(%arg9 : memref<!tpu.dma_semaphore, #tpu.memory_space<semaphore_mem>>)
        %dma_wait3A_74 = tpu.memref_slice %arg4[%add3A_42, %mul3A_0] : memref<65536x1000xf32, #tpu.memory_space<hbm>> -> memref<64x504xf32, #tpu.memory_space<hbm>>
        %dma_wait3A_75 = tpu.memref_slice %arg4[%add3A_42, %mul3A_0] : memref<65536x1000xf32, #tpu.memory_space<hbm>> -> memref<64x504xf32, #tpu.memory_space<hbm>>
        tpu.wait_dma2 semaphore(%arg12 : memref<!tpu.dma_semaphore, #tpu.memory_space<semaphore_mem>>) src(%arg8 : memref<64x504xf32, #tpu.memory_space<vmem>>) dst(%dma_wait3A_75 : memref<64x504xf32, #tpu.memory_space<hbm>>)
        %add3A_76 = arith.constant 2 : i32
        %add3A_77 = arith.addi %add3A_37, %add3A_76 : i32
        %dma_start3A_78 = arith.constant 0 : i32
        %dma_start3A_79 = tpu.memref_slice %arg6[%add3A_77, %dma_start3A_78] : memref<64x64xi32, #tpu.memory_space<vmem>> -> memref<1x64xi32, #tpu.memory_space<vmem>>
        %dma_start3A_80 = tpu.memref_squeeze %dma_start3A_79 : memref<1x64xi32, #tpu.memory_space<vmem>> -> memref<64xi32, #tpu.memory_space<vmem>>
        %dma_start3A_81 = arith.constant 0 : i32
        %dma_start3A_82 = arith.constant 0 : i32
        %dma_start3A_83 = tpu.memref_slice %arg5[%dma_start3A_81, %dma_start3A_82] : memref<1000x504xf32, #tpu.memory_space<vmem_shared>> -> memref<1000x504xf32, #tpu.memory_space<vmem_shared>>
        tpu.enqueue_indirect_dma source(%dma_start3A_83 : memref<1000x504xf32, #tpu.memory_space<vmem_shared>>) target(%arg8 : memref<64x504xf32, #tpu.memory_space<vmem>>) offsets(%dma_start3A_80 : memref<64xi32, #tpu.memory_space<vmem>>) semaphore(%arg10 : memref<!tpu.dma_semaphore, #tpu.memory_space<semaphore_mem>>)
      } else {
      }
    }
    %scan3A_26 = arith.constant 32 : i32
    %add3A = arith.constant 3968 : i32
    %add3A_27 = arith.addi %mul3A_8, %add3A : i32
    %dma_wait3A = tpu.memref_slice %arg4[%add3A_27, %mul3A_0] : memref<65536x1000xf32, #tpu.memory_space<hbm>> -> memref<64x504xf32, #tpu.memory_space<hbm>>
    %dma_wait3A_28 = tpu.memref_slice %arg4[%add3A_27, %mul3A_0] : memref<65536x1000xf32, #tpu.memory_space<hbm>> -> memref<64x504xf32, #tpu.memory_space<hbm>>
    tpu.wait_dma2 semaphore(%arg11 : memref<!tpu.dma_semaphore, #tpu.memory_space<semaphore_mem>>) src(%arg7 : memref<64x504xf32, #tpu.memory_space<vmem>>) dst(%dma_wait3A_28 : memref<64x504xf32, #tpu.memory_space<hbm>>)
    %add3A_29 = arith.constant 64 : i32
    %add3A_30 = arith.addi %add3A_27, %add3A_29 : i32
    %dma_wait3A_31 = tpu.memref_slice %arg4[%add3A_30, %mul3A_0] : memref<65536x1000xf32, #tpu.memory_space<hbm>> -> memref<64x504xf32, #tpu.memory_space<hbm>>
    %dma_wait3A_32 = tpu.memref_slice %arg4[%add3A_30, %mul3A_0] : memref<65536x1000xf32, #tpu.memory_space<hbm>> -> memref<64x504xf32, #tpu.memory_space<hbm>>
    tpu.wait_dma2 semaphore(%arg12 : memref<!tpu.dma_semaphore, #tpu.memory_space<semaphore_mem>>) src(%arg8 : memref<64x504xf32, #tpu.memory_space<vmem>>) dst(%dma_wait3A_32 : memref<64x504xf32, #tpu.memory_space<hbm>>)
    return
  }
}

</mosaic_0001>

<sc_bundles>
// kernel: kernel.3.cloned.1.call-start
scs
__scs_entry_jumppad:
0x0: {  	(pc) =	sbr.rel $0x88, $3  }
0x1: {  	(tag) =	ssettag $0x0;
	lr =	simm.s32 $0x1  }
0x2: {  	[smem:$0x3F9F] =	sst lr;
	_ =	strace $0xD0000000  }
0x3: {  	_ = 	snop  }
0x4: {  	_ = 	snop  }
0x5: {  	_ = 	snop  }
0x6: {  	_ = 	snop  }
0x7: {  	_ = 	snop  }
__scs_overlays_trampoline_lowered:
0x8: {  	[smem:$0x3FAE] =	sst s0  }
0x9: {  	[smem:$0x3FAF] =	sst s1  }
0xa: {  	[smem:$0x3FB0] =	sst s2  }
0xb: {  	[smem:$0x3FB1] =	sst s3  }
0xc: {  	[smem:$0x3FB2] =	sst s4  }
0xd: {  	[smem:$0x3FB3] =	sst s5  }
0xe: {  	[smem:$0x3FB4] =	sst s6  }
0xf: {  	[smem:$0x3FB5] =	sst s7  }
0x10: {  	[smem:$0x3FB6] =	sst s8  }
0x11: {  	[smem:$0x3FB7] =	sst s9;
	s0 =	simm.s32 @!p0 $0x0  }
0x12: {  	s1 =	sld [smem:$0x3F9D];
	s0 =	simm.s32 @p0 $0x1  }
0x13: {  	[smem:$0x3FB8] =	sst s0;
	s0 =	simm.s32 @!p1 $0x0  }
0x14: {  	s2 =	sld [smem:$0x3F9C];
	s0 =	simm.s32 @p1 $0x1  }
0x15: {  	[smem:$0x3FB9] =	sst s0;
	s0 =	simm.s32 @!p2 $0x0  }
0x16: {  	s3 =	sld [smem:$0x3FDB];
	s0 =	simm.s32 @p2 $0x1  }
0x17: {  	s4 =	simm.s32 $0x1BF5;
	[smem:$0x3FBB] =	sst s0  }
0x18: {  	s0 =	sld [smem:$0x3F9E];
	_ =	swait.ge [sflag:s4], $0x0  }
0x19: {  	s7 =	sld [smem:$0x3F9F]  }
0x1a: {  	s8 =	sadd.s32 $0xFFFFE003, lr  }
0x1b: {  	s9 =	sadd.s32 $0xFFFFFEF7, lr;
	s5 =	simm.s32 $0xFFFFFFFF;
	p2 =	slt.u32 s8, $0xFFFFF086  }
0x1c: {  	p1 =	slt.u32 s9, $0xF7A;
	s5 =	simm.s32 @!p2 $0x0  }
0x1d: {  	s5 =	simm.s32 @p1 $0x1;
	p0 =	seq.s32 s7, s2  }
0x1e: {  	s7 =	smul.u32 @!p0 $0xF7A, s2;
	p2 =	seq.s32 @!p0 s5, $0x0  }
0x1f: {  	s9 =	smul.u32 $0xF7A, s1;
	s8 =	simm.s32 @!p0 $0x1BF5;
	p2 =	por !p2, p0  }
0x20: {  	[sflag:s8] =	ssyncset.s32 @!p0 $0xFFFFF086;
	s6 =	sadd.s32 @!p0 s3, s7;
	s7 =	simm.s32 @!p0 $0x108  }
0x21: {  	s3 =	sadd.s32 s3, s9;
	s6 =	sadd.s32 @!p0 $0x88, s6;
	s7 =	simm.s32 @p2 $0x1082  }
0x22: {  	[simem:s7], [sflag:s8] =	dma.local @!p0 [hbm:s6], $0xF7A  }
0x23: {  	s9 =	sor.u32 $0xD0000000, s2;
	s6 =	simm.s32 $0x108;
	_ =	swait.ge @!p0 [sflag:s8], $0x0  }
0x24: {  	s3 =	sadd.s32 $0x88, s3;
	s6 =	simm.s32 @!p1 $0x1082;
	[sflag:s4] =	ssyncset.s32 $0xFFFFF086  }
0x25: {  	[simem:s6], [sflag:s4] =	dma.local [hbm:s3], $0xF7A  }
0x26: {  	[smem:$0x3F9F] =	sst s1;
	(tag) =	ssettag s2;
	_ =	strace s9  }
0x27: {  	s1 =	sld [smem:$0x3FAF]  }
0x28: {  	s2 =	sld [smem:$0x3FB0]  }
0x29: {  	s4 =	sld [smem:$0x3FB2]  }
0x2a: {  	p0 =	seq.s32 s5, $0x0;
	s5 =	sld [smem:$0x3FB3]  }
0x2b: {  	s6 =	sld [smem:$0x3FB4]  }
0x2c: {  	s7 =	sld [smem:$0x3FB5]  }
0x2d: {  	s3 =	simm.s32 $0x108;
	s8 =	sld [smem:$0x3FB6]  }
0x2e: {  	s3 =	simm.s32 @!p0 $0x1082;
	s9 =	sld [smem:$0x3FB7]  }
0x2f: {  	lr =	sadd.s32 s0, s3;
	s0 =	sld [smem:$0x3FAE]  }
0x30: {  	s3 =	sld [smem:$0x3FB1]  }
0x31: {  	[smem:$0x3FBA] =	sst s10  }
0x32: {  	s10 =	sld [smem:$0x3FB8];
	_ =	sdelay $0x3  }
0x33: {  	p0 =	seq.s32 s10, $0x1;
	s10 =	sld [smem:$0x3FBA];
	_ =	sdelay $0x3  }
0x34: {  	[smem:$0x3FBA] =	sst s10  }
0x35: {  	s10 =	sld [smem:$0x3FB9];
	_ =	sdelay $0x3  }
0x36: {  	p1 =	seq.s32 s10, $0x1;
	s10 =	sld [smem:$0x3FBA];
	_ =	sdelay $0x3  }
0x37: {  	[smem:$0x3FBA] =	sst s10  }
0x38: {  	s10 =	sld [smem:$0x3FBB]  }
0x39: {  	_ = 	snop;
	(pc) =	sbr.ind lr, $3  }
0x3a: {  	_ = 	snop  }
0x3b: {  	_ = 	snop  }
0x3c: {  	p2 =	seq.s32 s10, $0x1;
	s10 =	sld [smem:$0x3FBA]  }
0x3d: {  	_ =	shalt  }
0x3e: {  	_ =	shalt  }
0x3f: {  	_ =	shalt  }
0x40: {  	_ =	shalt  }
0x41: {  	_ =	shalt  }
0x42: {  	_ =	shalt  }
0x43: {  	_ =	shalt  }
0x44: {  	_ =	shalt  }
0x45: {  	_ =	shalt  }
0x46: {  	_ =	shalt  }
0x47: {  	_ =	shalt  }
0x48: {  	_ =	shalt  }
0x49: {  	_ =	shalt  }
0x4a: {  	_ =	shalt  }
0x4b: {  	_ =	shalt  }
0x4c: {  	_ =	shalt  }
0x4d: {  	_ =	shalt  }
0x4e: {  	_ =	shalt  }
0x4f: {  	_ =	shalt  }
0x50: {  	_ =	shalt  }
0x51: {  	_ =	shalt  }
0x52: {  	_ =	shalt  }
0x53: {  	_ =	shalt  }
0x54: {  	_ =	shalt  }
0x55: {  	_ =	shalt  }
0x56: {  	_ =	shalt  }
0x57: {  	_ =	shalt  }
0x58: {  	_ =	shalt  }
0x59: {  	_ =	shalt  }
0x5a: {  	_ =	shalt  }
0x5b: {  	_ =	shalt  }
0x5c: {  	_ =	shalt  }
0x5d: {  	_ =	shalt  }
0x5e: {  	_ =	shalt  }
0x5f: {  	_ =	shalt  }
0x60: {  	_ =	shalt  }
0x61: {  	_ =	shalt  }
0x62: {  	_ =	shalt  }
0x63: {  	_ =	shalt  }
0x64: {  	_ =	shalt  }
0x65: {  	_ =	shalt  }
0x66: {  	_ =	shalt  }
0x67: {  	_ =	shalt  }
0x68: {  	_ =	shalt  }
0x69: {  	_ =	shalt  }
0x6a: {  	_ =	shalt  }
0x6b: {  	_ =	shalt  }
0x6c: {  	_ =	shalt  }
0x6d: {  	_ =	shalt  }
0x6e: {  	_ =	shalt  }
0x6f: {  	_ =	shalt  }
0x70: {  	_ =	shalt  }
0x71: {  	_ =	shalt  }
0x72: {  	_ =	shalt  }
0x73: {  	_ =	shalt  }
0x74: {  	_ =	shalt  }
0x75: {  	_ =	shalt  }
0x76: {  	_ =	shalt  }
0x77: {  	_ =	shalt  }
0x78: {  	_ =	shalt  }
0x79: {  	_ =	shalt  }
0x7a: {  	_ =	shalt  }
0x7b: {  	_ =	shalt  }
0x7c: {  	_ =	shalt  }
0x7d: {  	_ =	shalt  }
0x7e: {  	_ =	shalt  }
0x7f: {  	_ =	shalt  }
0x80: {  	_ =	shalt  }
0x81: {  	_ =	shalt  }
0x82: {  	_ =	shalt  }
0x83: {  	_ =	shalt  }
0x84: {  	_ =	shalt  }
0x85: {  	_ =	shalt  }
0x86: {  	_ =	shalt  }
0x87: {  	_ =	shalt  }
.Lfunc_end0:
.L_simem_size_0:
called_computation.1_lowered:
.L_overlay_start_0:
0x88: {  	s2 =	sld [smem:$0x3FD9]  }
0x89: {  	s3 =	sld [smem:$0x3FFE];
	_ =	sdelay $0x1  }
0x8a: {  	s1 =	srdreg.scid  }
0x8b: {  	s0 =	sand.u32 $0x1, s1  }
0x8c: {  	s14 =	sshll.u32 s0, $0xA;
	s2 =	sadd.s32 s3, s2  }
0x8d: {  	s2 =	sadd.s32 s2, s14  }
0x8e: {  	[smem:$0x3FC6] =	sst s2  }
0x8f: {  	_ = 	snop  }
0x90: {  	s2 =	sld [smem:$0x3FD0];
	_ =	sdelay $0x2  }
0x91: {  	s15 =	simm.s32 $0xA;
	s4 =	simm.s32 $0x10  }
0x92: {  	[smem:s4], [sflag:s15] =	dma.local [hbm:s2], $0x1  }
0x93: {  	_ =	swait.eq [sflag:s15], $0x1  }
0x94: {  	[sflag:s15] =	ssyncset.done $0x0  }
0x95: {  	[sflag:s15] =	ssyncadd.s32 $0xFFFFFFFF  }
0x96: {  	s16 =	sld [smem:$0x10];
	(tm) =	ssettm $0x1  }
0x97: {  	s17 =	sld [smem:$0x3FFB];
	_ =	sdelay $0x3  }
0x98: {  	_ =	strace s17  }
0x99: {  	s3 =	sld [smem:$0x3FFC];
	_ =	sdelay $0x3  }
0x9a: {  	_ =	strace s3  }
0x9b: {  	s3 =	sld [smem:$0x3FFD];
	_ =	sdelay $0x3  }
0x9c: {  	_ =	strace s3  }
0x9d: {  	_ =	strace $0x8FFFFFFF  }
0x9e: {  	s18 =	sld [smem:$0x3FDB];
	_ =	sdelay $0x1  }
0x9f: {  	s19 =	simm.s32 $_scs_section_size  }
0xa0: {  	s5 =	simm.s32 $_size__tile_overlayer_lowered;
	s6 =	simm.s32 $_tile_overlayer_lowered  }
0xa1: {  	s22 =	simm.s32 $0x1BFF;
	s21 =	sshll.u32 s6, $0x1;
	s3 =	sadd.s32 s19, s18  }
0xa2: {  	s7 =	simm.s32 $0x0;
	s20 =	sshll.u32 s5, $0x1;
	s5 =	sadd.s32 s21, s3  }
0xa3: {  	[timem:s7], [sflag:s22] =	dma.local [hbm:s5], s20  }
0xa4: {  	_ =	swait.ge [sflag:s22], s20  }
0xa5: {  	s4 =	ssub.s32 $0x0, s20;
	[sflag:s22] =	ssyncset.done $0x0  }
0xa6: {  	[sflag:s22] =	ssyncadd.s32 s4;
	_ =	sdelay $0x1  }
0xa7: {  	s23 =	simm.s32 $0x1B8B  }
0xa8: {  	_ =	swait.ge [sflag:s23], $0x1  }
0xa9: {  	[sflag:s23] =	ssyncset.done $0x0  }
0xaa: {  	s25 =	simm.s32 $0x1B8E;
	s24 =	sld [smem:$0x3FFE];
	[sflag:s23] =	ssyncadd.s32 $0xFFFFFFFF  }
0xab: {  	s26 =	simm.s32 $execute0_lowered;
	[smem:$0x3FD2] =	sst s25  }
0xac: {  	s5 =	sshll.u32 s26, $0x1;
	_ =	strace $0x80000046;
	[dreg:$0x1] =	wrdreg $0xFFFFFFFF  }
0xad: {  	s28 =	simm.s32 $_size_execute0_lowered;
	s3 =	sadd.s32 s3, s5;
	[dreg:$0x0] =	wrdreg $0x0  }
0xae: {  	s5 =	sshll.u32 s28, $0x1;
	[dreg:$0x2] =	wrdreg s3  }
0xaf: {  	[dreg:$0x3] =	wrdreg s5  }
0xb0: {  	[dreg:$0x4] =	wrdreg $0xC0  }
0xb1: {  	_ =	task [dreg:s7], $0x5FFFF  }
0xb2: {  	[dreg:$0x1] =	wrdreg $0xFFFFFFFF  }
0xb3: {  	[dreg:$0x0] =	wrdreg $0x60  }
0xb4: {  	[dreg:$0x2] =	wrdreg s24  }
0xb5: {  	[dreg:$0x3] =	wrdreg s16  }
0xb6: {  	[dreg:$0x4] =	wrdreg $0x0  }
0xb7: {  	[dreg:$0x5] =	wrdreg $0x9  }
0xb8: {  	_ =	task.clear_ibuf [dreg:s7], $0x6FFFF;
	_ =	strace $0x90000046  }
0xb9: {  	s29 =	simm.s32 $0x9;
	_ =	strace $0x80000048  }
0xba: {  	_ =	swait.ge [sflag:s29], $0x1  }
0xbb: {  	[sflag:s29] =	ssyncadd.s32 $0xFFFFFFFF  }
0xbc: {  	_ =	strace $0x90000048  }
0xbd: {  	_ =	sfence  }
0xbe: {  	s30 =	sld [smem:$0x0];
	_ =	sdelay $0x2  }
0xbf: {  	s31 =	sshll.u32 s1, $0xD;
	s1 =	sshrl.u32 s1, $0x2  }
0xc0: {  	s3 =	sand.u32 $0x4000, s31;
	s1 =	sadd.s32 s1, s30  }
0xc1: {  	s0 =	sor.u32 s3, s0;
	s1 =	sshll.u32 s1, $0x11  }
0xc2: {  	s0 =	sor.u32 s1, s0  }
0xc3: {  	s0 =	sadd.s32 $0x8F2B, s0  }
0xc4: {  	[sflag:s0] =	ssyncadd.remote.s32 $0x1  }
0xc5: {  	_ =	sfence.sel $0xFFFF  }
0xc6: {  	[dreg:$0x0] =	wrdreg $0xFFFFFFFF;
	(pc) =	sbr.abs _section_cstart, $3  }
0xc7: {  	[dreg:$0x1] =	wrdreg $0xFFFFFFFF  }
0xc8: {  	_ =	task.clear_ibuf [dreg:s7], $0x2FFFF;
	_ =	strace $0x9FFFFFFF  }
0xc9: {  	(tm) =	ssettm $0x7FFFFFFF  }
tec
execute0_lowered:
.L_overlay_start_1:
0x0: {  	(tag) =	ssettag $0x1  }
0x1: {  	s4 =	rddreg [dreg:$0x0]  }
0x2: {  	s11 =	rddreg [dreg:$0x1]  }
0x3: {  	s1 =	rddreg [dreg:$0x2]  }
0x4: {  	s3 =	simm.s32 $0x0;
	s2 =	srdreg.scid;
	s0 =	stileid.u32  }
0x5: {  	s13 =	simm.s32 $0x5;
	s17 =	simm.s32 $0x40;
	s18 =	simm.s32 $0x8B10  }
0x6: {  	s19 =	simm.s32 $0x7B50;
	s20 =	simm.s32 $0x10910;
	s21 =	simm.s32 $0x1  }
0x7: {  	s28 =	simm.s32 $0x0;
	[smem:$0x7FF] =	sst s3;
	s6 =	smul.u32 $0xFA00, s0  }
0x8: {  	s5 =	sand.u32 $0x1, s2;
	s8 =	sshll.u32 s0, $0x9;
	s10 =	smul.u32 $0x1F800, s0  }
0x9: {  	s12 =	sadd.s32 $0x2800, s4;
	s25 =	smul.u32 $0x3E8000, s0;
	s14 =	sadd.s32 $0x76200, s1  }
0xa: {  	p0 =	seq.s32 s0, $0xF;
	s7 =	smul.u32 $0x1F0, s5;
	_ =	strace $0x80000047  }
0xb: {  	s5 =	ssub.s32 $0x2, s5;
	s8 =	sadd.s32 s8, s4;
	s15 =	sshll.u32 @!p0 s0, $0x6  }
0xc: {  	s14 =	sshrl.u32 @p0 s14, $0x3;
	s9 =	sshrl.u32 s5, $0x1;
	s4 =	sadd.s32 $0x800, s8  }
0xd: {  	s23 =	sshrl.u32 s10, $0x2;
	s15 =	sor.u32 @!p0 $0x1C05, s15;
	s9 =	ssub.s32 s5, s9  }
0xe: {  	s22 =	sor.u32 s7, s6;
	s24 =	sshrl.u32 s7, $0x3;
	s16 =	sadd.s32 s23, s1  }
0xf: {  	s29 =	sor.u32 s7, s25;
	s23 =	simm.s32 $0x3E8;
	s25 =	simm.s32 $0x3  }
0x10: {  	s5 =	sshrl.u32 s22, $0x3;
	s26 =	sadd.s32 s24, s12;
	s30 =	sadd.s32 $0x3C8C00, s29  }
0x11: {  	s7 =	smax.u32 s9, $0x1;
	s31 =	sadd.s32 $0x3D8600, s29;
	s10 =	sadd.s32 $0xFA00, s29  }
0x12: {  	s16 =	sshrl.u32 @!p0 s16, $0x3;
	s22 =	simm.s32 $0x1F8;
	s24 =	simm.s32 $0x2  }
0x13: {  	s5 =	sadd.s32 s12, s5;
	s6 =	sadd.s32 $0x1D4C0, s26;
	s8 =	sshrl.u32 s30, $0x3  }
0x14: {  	s9 =	sshrl.u32 s31, $0x3;
	s10 =	sshrl.u32 s10, $0x3;
	s12 =	sshrl.u32 s29, $0x3  }
0x15: {  	s26 =	simm.s32 $0x4;
	s8 =	sadd.s32 s11, s8;
	s9 =	sadd.s32 s11, s9  }
0x16: {  	s10 =	sadd.s32 s10, s11;
	s11 =	sadd.s32 s12, s11;
	s12 =	simm.s32 $0x7B10  }
.LBB2_1:
0x17: {  	[tilespmem:s12], [sflag:$0x5] =	stream.linear.gather [hbm4b:s4+s3], $0x1000, $0x38;
	[tilespmem:$0x18710] =	vst v63  }
0x18: {  	_ =	swait.ge [sflag:s13], $0x1000  }
0x19: {  	s29 =	simm.s32 @p0 $0x7;
	s30 =	simm.s32 @p0 $0x3F;
	[sflag:s13] =	ssyncset.done $0x0  }
0x1a: {  	s31 =	simm.s32 @p0 $0x7D;
	s0 =	simm.s32 @p0 $0x1FC5;
	[sflag:s13] =	ssyncadd.s32 $0xFFFFF000  }
0x1b: {  	[spmem:s14@s30], [sflag:s0] =	dma.strided @p0 [hbm:s6@s31], $0x9D8, s29, $0x9   }
0x1c: {  	s0 =	simm.s32 @p0 $0x5  }
0x1d: {  	_ =	swait.ge @p0 [sflag:s0], $0x9D8  }
0x1e: {  	s29 =	simm.s32 @!p0 $0x3F;
	[sflag:s0] =	ssyncset.done @p0 $0x0  }
0x1f: {  	s30 =	simm.s32 @!p0 $0x7D;
	[sflag:s0] =	ssyncadd.s32 @p0 $0xFFFFF628;
	s0 =	simm.s32 @!p0 $0x7  }
0x20: {  	[spmem:s16@s29], [sflag:s15] =	dma.strided @!p0 [hbm:s5@s30], $0xFC0, s0, $0x9   }
0x21: {  	s0 =	simm.s32 @!p0 $0x5  }
0x22: {  	_ =	swait.ge @!p0 [sflag:s0], $0xFC0  }
0x23: {  	[sflag:s0] =	ssyncset.done @!p0 $0x0  }
0x24: {  	[sflag:s0] =	ssyncadd.s32 @!p0 $0xFFFFF040  }
0x25: {  	[bflag:$0x0] =	sbarrier.arrive $0xFFFF  }
0x26: {  	[tilespmem:s18], [sflag:$0x1] =	stream.indirect.gather [spmem:s1], $0x1F8, s12, s17, $0xb8;
	[tilespmem:$0x18710] =	vst v63  }
0x27: {  	_ = 	snop  }
0x28: {  	[tilespmem:s20], [sflag:$0x2] =	stream.indirect.gather [spmem:s1], $0x1F8, s19, s17, $0xb8;
	[tilespmem:$0x18710] =	vst v63  }
0x29: {  	_ =	swait.ge [sflag:s21], $0x7E00  }
0x2a: {  	[sflag:s21] =	ssyncset.done $0x0  }
0x2b: {  	s2 =	sadd.s32 $0x0, s11;
	[sflag:s21] =	ssyncadd.s32 $0xFFFF8200  }
0x2c: {  	[hbm4b:s2+s22] =	stream.strided.scatter [tilespmem:s18], [sflag:$0x3], $0x7E00, s23, s22, $0x38;
	[tilespmem:$0x18710] =	vst v63  }
0x2d: {  	_ =	swait.ge [sflag:s24], $0x7E00  }
0x2e: {  	[sflag:s24] =	ssyncset.done $0x0  }
0x2f: {  	s2 =	sadd.s32 $0x0, s10;
	[sflag:s24] =	ssyncadd.s32 $0xFFFF8200  }
0x30: {  	[hbm4b:s2+s22] =	stream.strided.scatter [tilespmem:s20], [sflag:$0x4], $0x7E00, s23, s22, $0x38;
	[tilespmem:$0x18710] =	vst v63  }
0x31: {  	_ =	swait.ge [sflag:s25], $0x7E00  }
0x32: {  	[sflag:s25] =	ssyncset.done $0x0  }
0x33: {  	s2 =	simm.s32 $0x7B90;
	[sflag:s25] =	ssyncadd.s32 $0xFFFF8200  }
0x34: {  	[tilespmem:s18], [sflag:$0x1] =	stream.indirect.gather [spmem:s1], $0x1F8, s2, s17, $0xb8;
	[tilespmem:$0x18710] =	vst v63  }
0x35: {  	_ =	swait.ge [sflag:s26], $0x7E00  }
0x36: {  	s31 =	simm.s32 $0x7C50;
	[sflag:s26] =	ssyncset.done $0x0  }
0x37: {  	s29 =	simm.s32 $0x7BD0;
	s30 =	simm.s32 $0x3E80;
	[sflag:s26] =	ssyncadd.s32 $0xFFFF8200  }
.LBB2_2:
0x38: {  	[tilespmem:s20], [sflag:$0x2] =	stream.indirect.gather [spmem:s1], $0x1F8, s29, s17, $0xb8;
	[tilespmem:$0x18710] =	vst v63  }
0x39: {  	s0 =	smov.u32 s30;
	s29 =	smov.u32 s31  }
0x3a: {  	p1 =	sne.s32 s30, $0x75300;
	s30 =	sadd.s32 $0x3E80, s30;
	_ =	swait.ge [sflag:s21], $0x7E00  }
0x3b: {  	[sflag:s21] =	ssyncset.done $0x0  }
0x3c: {  	s2 =	sadd.s32 s0, s11;
	[sflag:s21] =	ssyncadd.s32 $0xFFFF8200  }
0x3d: {  	[hbm4b:s2+s22] =	stream.strided.scatter [tilespmem:s18], [sflag:$0x3], $0x7E00, s23, s22, $0x38;
	[tilespmem:$0x18710] =	vst v63  }
0x3e: {  	_ =	swait.ge [sflag:s24], $0x7E00  }
0x3f: {  	[sflag:s24] =	ssyncset.done $0x0  }
0x40: {  	s0 =	sadd.s32 s0, s10;
	[sflag:s24] =	ssyncadd.s32 $0xFFFF8200  }
0x41: {  	[hbm4b:s0+s22] =	stream.strided.scatter [tilespmem:s20], [sflag:$0x4], $0x7E00, s23, s22, $0x38;
	[tilespmem:$0x18710] =	vst v63  }
0x42: {  	_ =	swait.ge [sflag:s25], $0x7E00  }
0x43: {  	[sflag:s25] =	ssyncset.done $0x0  }
.Ltmp0:
0x44: {  	s0 =	sadd.s32 $0xFFFFFFC0, s31;
	[sflag:s25] =	ssyncadd.s32 $0xFFFF8200;
	(pc) =	sbr.rel @p1 .LBB2_2-.Ltmp0, $4  }
0x45: {  	[tilespmem:s18], [sflag:$0x1] =	stream.indirect.gather [spmem:s1], $0x1F8, s0, s17, $0xb8;
	[tilespmem:$0x18710] =	vst v63  }
0x46: {  	_ =	swait.ge [sflag:s26], $0x7E00  }
0x47: {  	[sflag:s26] =	ssyncset.done $0x0  }
0x48: {  	s31 =	sadd.s32 $0x80, s31;
	[sflag:s26] =	ssyncadd.s32 $0xFFFF8200  }
0x49: {  	[tilespmem:s20], [sflag:$0x2] =	stream.indirect.gather [spmem:s1], $0x1F8, s29, s17, $0xb8;
	[tilespmem:$0x18710] =	vst v63  }
0x4a: {  	_ =	swait.ge [sflag:s21], $0x7E00  }
0x4b: {  	[sflag:s21] =	ssyncset.done $0x0  }
0x4c: {  	[sflag:s21] =	ssyncadd.s32 $0xFFFF8200  }
0x4d: {  	[hbm4b:s8+s22] =	stream.strided.scatter [tilespmem:s18], [sflag:$0x3], $0x7E00, s23, s22, $0x38;
	[tilespmem:$0x18710] =	vst v63  }
0x4e: {  	_ =	swait.ge [sflag:s24], $0x7E00  }
0x4f: {  	[sflag:s24] =	ssyncset.done $0x0  }
0x50: {  	s28 =	sadd.s32 $0x1, s28;
	[sflag:s24] =	ssyncadd.s32 $0xFFFF8200  }
0x51: {  	[hbm4b:s9+s22] =	stream.strided.scatter [tilespmem:s20], [sflag:$0x4], $0x7E00, s23, s22, $0x38;
	[tilespmem:$0x18710] =	vst v63  }
0x52: {  	p1 =	sne.s32 s28, s7;
	_ =	swait.ge [sflag:s25], $0x7E00  }
.Ltmp1:
0x53: {  	[sflag:s25] =	ssyncset.done $0x0;
	(pc) =	sbr.rel @p1 .LBB2_1-.Ltmp1, $4  }
0x54: {  	[sflag:s25] =	ssyncadd.s32 $0xFFFF8200  }
0x55: {  	_ =	swait.ge [sflag:s26], $0x7E00  }
0x56: {  	[sflag:s26] =	ssyncset.done $0x0  }
0x57: {  	[sflag:s26] =	ssyncadd.s32 $0xFFFF8200  }
0x58: {  	_ =	sfence.sel $0x180000  }
0x59: {  	[bflag:$0x0] =	sbarrier.arrive $0xFFFF  }
0x5a: {  	_ =	strace $0x90000047  }
0x5b: {  	s0 =	stileid.u32;
	[bflag:$0x2] =	sbarrier.arrive $0xFFFF  }
0x5c: {  	p0 =	sne.s32 s0, $0x0;
	s0 =	rddreg [dreg:$0x3]  }
0x5d: {  	s0 =	sadd.s32 @!p0 $0x100000, s0  }
0x5e: {  	[sflag:s0] =	ssyncadd.tile.s32 @!p0 $0x1;
	_ =	shalt  }
.Lfunc_end2:
_tile_overlayer_lowered:
.L_overlay_start_2:
0x5f: {  	(tag) =	ssettag $0x2  }
0x60: {  	s0 =	rddreg [dreg:$0x0];
	s2 =	stileid.u32  }
0x61: {  	s1 =	rddreg [dreg:$0x1];
	p0 =	sne.s32 s2, $0x0  }
0x62: {  	s3 =	rddreg [dreg:$0x2];
	[bflag:$0x3] =	sbarrier.arrive $0xFFFF;
	s2 =	simm.s32 @!p0 $0x1C05  }
0x63: {  	[timem:s3], [sflag:s2] =	dma.local @!p0 [hbm:s0], s1  }
0x64: {  	s0 =	simm.s32 @!p0 $0x5  }
0x65: {  	_ =	swait.ge @!p0 [sflag:s0], s1  }
0x66: {  	s1 =	ssub.s32 @!p0 $0x0, s1;
	[sflag:s0] =	ssyncset.done @!p0 $0x0  }
0x67: {  	[sflag:s0] =	ssyncadd.s32 @!p0 s1  }
0x68: {  	[bflag:$0x3] =	sbarrier.arrive $0xFFFF  }
0x69: {  	_ =	shalt  }

// kernel: sparse-core-data-format-call.cloned.1.call-start
scs
called_computation_lowered:
.L_overlay_start_0:
0x0: {  	s2 =	sld [smem:$0x3FD9]  }
0x1: {  	s3 =	sld [smem:$0x3FFE];
	_ =	sdelay $0x1  }
0x2: {  	s1 =	srdreg.scid  }
0x3: {  	s0 =	sand.u32 $0x1, s1  }
0x4: {  	s15 =	sshll.u32 s0, $0xA;
	s2 =	sadd.s32 s3, s2  }
0x5: {  	s2 =	sadd.s32 s2, s15  }
0x6: {  	[smem:$0x3FC6] =	sst s2  }
0x7: {  	_ = 	snop  }
0x8: {  	s2 =	sld [smem:$0x3FD0];
	_ =	sdelay $0x2  }
0x9: {  	s16 =	simm.s32 $0xA;
	s4 =	simm.s32 $0x10  }
0xa: {  	[smem:s4], [sflag:s16] =	dma.local [hbm:s2], $0x1  }
0xb: {  	_ =	swait.eq [sflag:s16], $0x1  }
0xc: {  	[sflag:s16] =	ssyncset.done $0x0  }
0xd: {  	[sflag:s16] =	ssyncadd.s32 $0xFFFFFFFF  }
0xe: {  	s17 =	sld [smem:$0x10];
	(tm) =	ssettm $0x1  }
0xf: {  	s18 =	sld [smem:$0x3FFB];
	_ =	sdelay $0x3  }
0x10: {  	_ =	strace s18  }
0x11: {  	s3 =	sld [smem:$0x3FFC];
	_ =	sdelay $0x3  }
0x12: {  	_ =	strace s3  }
0x13: {  	s3 =	sld [smem:$0x3FFD];
	_ =	sdelay $0x3  }
0x14: {  	_ =	strace s3  }
0x15: {  	_ =	strace $0x8FFFFFFF  }
0x16: {  	s19 =	sld [smem:$0x3FDB];
	_ =	sdelay $0x1  }
0x17: {  	s20 =	simm.s32 $_scs_section_size  }
0x18: {  	s5 =	simm.s32 $_size__tile_overlayer_lowered;
	s6 =	simm.s32 $_tile_overlayer_lowered  }
0x19: {  	s23 =	simm.s32 $0x1BFF;
	s22 =	sshll.u32 s6, $0x1;
	s3 =	sadd.s32 s20, s19  }
0x1a: {  	s7 =	simm.s32 $0x0;
	s21 =	sshll.u32 s5, $0x1;
	s5 =	sadd.s32 s22, s3  }
0x1b: {  	[timem:s7], [sflag:s23] =	dma.local [hbm:s5], s21  }
0x1c: {  	_ =	swait.ge [sflag:s23], s21  }
0x1d: {  	s4 =	ssub.s32 $0x0, s21;
	[sflag:s23] =	ssyncset.done $0x0  }
0x1e: {  	[sflag:s23] =	ssyncadd.s32 s4;
	_ =	sdelay $0x1  }
0x1f: {  	s24 =	simm.s32 $0x1B8B  }
0x20: {  	_ =	swait.ge [sflag:s24], $0x1  }
0x21: {  	[sflag:s24] =	ssyncset.done $0x0  }
0x22: {  	s26 =	simm.s32 $0x1B8E;
	s25 =	sld [smem:$0x3FFE];
	[sflag:s24] =	ssyncadd.s32 $0xFFFFFFFF  }
0x23: {  	s27 =	simm.s32 $execute0_lowered;
	[smem:$0x3FD2] =	sst s26  }
0x24: {  	s5 =	sshll.u32 s27, $0x1;
	_ =	strace $0x80000049;
	[dreg:$0x1] =	wrdreg $0xFFFFFFFF  }
0x25: {  	s28 =	simm.s32 $_size_execute0_lowered;
	s3 =	sadd.s32 s3, s5;
	[dreg:$0x0] =	wrdreg $0x0  }
0x26: {  	s5 =	sshll.u32 s28, $0x1;
	[dreg:$0x2] =	wrdreg s3  }
0x27: {  	[dreg:$0x3] =	wrdreg s5  }
0x28: {  	[dreg:$0x4] =	wrdreg $0xC0  }
0x29: {  	_ =	task [dreg:s7], $0x5FFFF  }
0x2a: {  	[dreg:$0x1] =	wrdreg $0xFFFFFFFF  }
0x2b: {  	[dreg:$0x0] =	wrdreg $0x60  }
0x2c: {  	[dreg:$0x2] =	wrdreg s25  }
0x2d: {  	[dreg:$0x3] =	wrdreg s17  }
0x2e: {  	[dreg:$0x4] =	wrdreg $0x9  }
0x2f: {  	_ =	task.clear_ibuf [dreg:s7], $0x5FFFF;
	_ =	strace $0x90000049  }
0x30: {  	s29 =	simm.s32 $0x9;
	_ =	strace $0x8000004B  }
0x31: {  	_ =	swait.ge [sflag:s29], $0x1  }
0x32: {  	[sflag:s29] =	ssyncadd.s32 $0xFFFFFFFF  }
0x33: {  	_ =	strace $0x9000004B  }
0x34: {  	_ =	sfence  }
0x35: {  	s30 =	sld [smem:$0x0];
	_ =	sdelay $0x2  }
0x36: {  	s31 =	sshll.u32 s1, $0xD;
	s1 =	sshrl.u32 s1, $0x2  }
0x37: {  	s3 =	sand.u32 $0x4000, s31;
	s1 =	sadd.s32 s1, s30  }
0x38: {  	s0 =	sor.u32 s3, s0;
	s1 =	sshll.u32 s1, $0x11  }
0x39: {  	s0 =	sor.u32 s1, s0  }
0x3a: {  	s0 =	sadd.s32 $0x8F2B, s0  }
0x3b: {  	[sflag:s0] =	ssyncadd.remote.s32 $0x1  }
0x3c: {  	_ =	sfence.sel $0xFFFF  }
0x3d: {  	[dreg:$0x0] =	wrdreg $0xFFFFFFFF;
	(pc) =	sbr.abs _section_cstart, $3  }
0x3e: {  	[dreg:$0x1] =	wrdreg $0xFFFFFFFF  }
0x3f: {  	_ =	task.clear_ibuf [dreg:s7], $0x2FFFF;
	_ =	strace $0x9FFFFFFF  }
0x40: {  	(tm) =	ssettm $0x7FFFFFFF  }
0x41: {  	_ =	shalt  }
tec
execute0_lowered:
.L_overlay_start_1:
0x0: {  	(tag) =	ssettag $0x1  }
0x1: {  	s1 =	rddreg [dreg:$0x0]  }
0x2: {  	s2 =	rddreg [dreg:$0x1]  }
0x3: {  	s0 =	rddreg [dreg:$0x2]  }
0x4: {  	s4 =	srdreg.scid;
	_ =	strace $0x8000004A;
	s6 =	simm.s32 $0x2  }
0x5: {  	s14 =	simm.s32 $0x0;
	p0 =	por $0x0, $0x0;
	s15 =	simm.s32 $0x0  }
0x6: {  	s16 =	simm.s32 $0x0;
	s7 =	simm.s32 $0x0;
	s9 =	simm.s32 $0x0  }
.Ltmp0:
0x7: {  	s10 =	simm.s32 $0x0;
	s11 =	simm.s32 $0x0;
	(pc) =	sbr.rel .LBB1_1-.Ltmp0, $4  }
0x8: {  	s12 =	simm.s32 $0x0;
	s3 =	sadd.s32 $0x800, s1;
	s4 =	sshll.u32 s4, $0x4  }
0x9: {  	s1 =	stileid.u32;
	s5 =	sand.u32 $0x10, s4;
	s4 =	simm.s32 $0x1  }
0xa: {  	s8 =	simm.s32 $0x0;
	s5 =	sor.u32 s1, s5;
	[sflag:s4] =	ssyncpa.u1 $0x0  }
0xb: {  	[sflag:s6] =	ssyncpa.u1 $0x0;
	s6 =	simm.s32 $0x4000;
	s13 =	smov.u32 s5  }
.LBB1_5:
0xc: {  	p1 =	slt.u32 s8, $0x2  }
0xd: {  	p2 =	sgt.s32 @!p1 s16, $0x1F  }
0xe: {  	s17 =	smov.u32 s16;
	s18 =	sshra.s32 @!p1 s16, $0x1F;
	p2 =	por !p2, p1  }
0xf: {  	s16 =	sand.u32 @!p1 s18, s16;
	s17 =	simm.s32 @p2 $0x1F  }
0x10: {  	p3 =	sgt.s32 @!p1 s15, $0x780;
	s16 =	ssub.s32 @!p1 s17, s16  }
0x11: {  	p3 =	por !p3, p1;
	s18 =	sshra.s32 @!p1 s15, $0x1F;
	s17 =	sadd.s32 @!p1 $0xFFFFFFE1, s16  }
0x12: {  	s16 =	ssub.s32 @!p1 $0x20, s16;
	p2 =	sgt.s32 @!p1 s17, $0x0;
	s17 =	smov.u32 s15  }
0x13: {  	s15 =	sand.u32 @!p1 s18, s15;
	s17 =	simm.s32 @p3 $0x780;
	p3 =	sgt.s32 @!p1 s14, $0x368  }
0x14: {  	s18 =	smov.u32 s14;
	p2 =	por !p2, p1;
	p3 =	por !p3, p1  }
0x15: {  	s15 =	ssub.s32 @!p1 s17, s15;
	s17 =	sshra.s32 @!p1 s14, $0x1F;
	s16 =	simm.s32 @!p2 $0x0  }
0x16: {  	s18 =	simm.s32 @p3 $0x368;
	s14 =	sand.u32 @!p1 s17, s14;
	s17 =	sadd.s32 @!p1 $0xFFFFF880, s15  }
0x17: {  	s15 =	ssub.s32 @!p1 $0x800, s15;
	s14 =	ssub.s32 @!p1 s18, s14;
	p2 =	sgt.s32 @!p1 s17, $0x7F  }
0x18: {  	s18 =	smov.u32 s12;
	s17 =	sadd.s32 @!p1 $0xFFFFFC98, s14;
	p2 =	por !p2, p1  }
0x19: {  	s14 =	ssub.s32 @!p1 $0x3E8, s14;
	p3 =	sgt.s32 @!p1 s17, $0x7F;
	s15 =	simm.s32 @!p2 $0x0  }
0x1a: {  	s17 =	sadd.s32 $0x80, s11;
	p2 =	por !p3, p1;
	s15 =	smul.u32 @!p1 s16, s15  }
0x1b: {  	s16 =	sadd.s32 $0x80, s12;
	s14 =	simm.s32 @!p2 $0x0;
	p2 =	sgt.s32 s17, $0x3E7  }
0x1c: {  	s19 =	smov.u32 s13;
	s18 =	smov.u32 @p2 s16  }
0x1d: {  	s14 =	smul.u32 @!p1 s14, s15;
	s15 =	sadd.s32 $0x20, s13;
	p3 =	sgt.s32 s18, $0x7FF  }
0x1e: {  	s8 =	sadd.s32 $0x1, s8;
	p0 =	por !p0, !p0;
	s19 =	smov.u32 @p3 s15  }
0x1f: {  	s20 =	simm.s32 @!p1 $0x2;
	s17 =	simm.s32 @p2 $0x0;
	p2 =	sgt.s32 s19, $0x1F  }
0x20: {  	s16 =	smov.u32 s10;
	s19 =	smov.u32 @p2 s5;
	p2 =	sne.s32 s8, $0x82  }
.Ltmp1:
0x21: {  	s10 =	smov.u32 s13;
	s14 =	sand.u32 @!p1 $0x3FFFFFFF, s14;
	(pc) =	sbr.rel @!p2 .LBB1_6-.Ltmp1, $4  }
0x22: {  	s18 =	simm.s32 @p3 $0x0;
	s15 =	smov.u32 s9;
	s9 =	smov.u32 s12  }
0x23: {  	_ =	swait.ge @!p1 [sflag:s20], s14;
	s21 =	ssub.s32 @!p1 $0x0, s14;
	s14 =	smov.u32 s7  }
0x24: {  	s7 =	smov.u32 s11;
	s11 =	smov.u32 s17;
	[sflag:s20] =	ssyncset.done @!p1 $0x0  }
0x25: {  	s12 =	smov.u32 s18;
	[sflag:s20] =	ssyncadd.s32 @!p1 s21;
	s13 =	smov.u32 s19  }
.LBB1_1:
0x26: {  	p1 =	sgt.u32 s8, $0x7F  }
0x27: {  	s17 =	sshll.u32 @!p1 s12, $0x7  }
0x28: {  	s18 =	sxor.u32 @!p1 $0xFFFFFFFF, s8;
	s19 =	sand.u32 @!p1 $0x78, s11;
	s20 =	sand.u32 @!p1 $0x380, s17  }
0x29: {  	s18 =	sshll.u32 @!p1 s18, $0xE;
	s19 =	sor.u32 @!p1 s19, s20;
	s20 =	sshll.u32 @!p1 s13, $0x12  }
0x2a: {  	s17 =	sand.u32 @!p1 $0x3FC00, s17;
	s19 =	sshrl.u32 @!p1 s19, $0x3;
	s20 =	sadd.s32 @!p1 s3, s20  }
0x2b: {  	s17 =	sadd.s32 @!p1 s11, s17;
	s19 =	sadd.s32 @!p1 s19, s20;
	s20 =	sand.u32 @!p1 $0x7, s11  }
0x2c: {  	s18 =	sand.u32 @!p1 $0x4000, s18;
	s17 =	sand.u32 @!p1 $0x3FF80, s17;
	s20 =	sshll.u32 @!p1 s20, $0x12  }
0x2d: {  	s17 =	sadd.s32 @!p1 s17, s19;
	s19 =	sor.u32 @!p1 $0x400, s20;
	s20 =	simm.s32 @!p1 $0x2000  }
0x2e: {  	[tilespmem:s18], [sflag:$0x1] =	stream.strided.gather @!p1 [hbm4b:s17+s19], $0x4000, s20, s19, $0x38;
	[tilespmem:$0x10100] =	vst v63  }
0x2f: {  	p1 =	seq.s32 s8, $0x0  }
0x30: {  	p2 =	seq.s32 @!p1 s8, $0x81  }
0x31: {  	p1 =	por p1, p2  }
.Ltmp2:
0x32: {  	_ = 	snop;
	(pc) =	sbr.rel @p1 .LBB1_5-.Ltmp2, $1  }
0x33: {  	_ =	sdelay $0x3  }
0x34: {  	s17 =	simm.s32 $0x1  }
0x35: {  	_ =	swait.ge [sflag:s4], $0x4000;
	s17 =	simm.s32 @!p0 $0x0  }
0x36: {  	[sflag:s4] =	ssyncset.done $0x0;
	s18 =	sshll.u32 s17, $0xE  }
0x37: {  	[sflag:s4] =	ssyncadd.s32 $0xFFFFC000;
	s18 =	sor.u32 $0x40, s18  }
0x38: {  	s17 =	smul.u32 $0x10200, s17;
	v0 =	vld [tilespmem:s18+$0x30]  }
0x39: {  	v1 =	vld [tilespmem:s18+$0xFFFFFFD0]  }
0x3a: {  	s17 =	sshrl.u32 s17, $0x2;
	v5 =	vld [tilespmem:s18+$0xFFFFFFE0]  }
0x3b: {  	v6 =	vld [tilespmem:s18+$0xFFFFFFF0];
	s20 =	sor.u32 $0x8000, s17  }
0x3c: {  	s31 =	sand.u32 $0x1, s8;
	v4 =	vld [tilespmem:s18+$0x0];
	s19 =	sadd.s32 $0x0, s20  }
0x3d: {  	v3 =	vld [tilespmem:s18+$0x10];
	s17 =	smul.u32 $0x10200, s31;
	[tilespmem:s19+$0x3870 ss:$0x81] =	vst.msk $0xffff, v0  }
0x3e: {  	v2 =	vld [tilespmem:s18+$0x20];
	[tilespmem:s19+$0x810 ss:$0x81] =	vst.msk $0xffff, v1  }
0x3f: {  	s17 =	sshrl.u32 s17, $0x2;
	v1 =	vld [tilespmem:s18+$0xFFFFFFC0];
	[tilespmem:s19+$0x1020 ss:$0x81] =	vst.msk $0xffff, v5;
	s18 =	sadd.s32 $0x80, s18  }
0x40: {  	s21 =	simm.s32 $0x4;
	s22 =	simm.s32 $0x8;
	s17 =	sor.u32 $0x8000, s17;
	[tilespmem:s19+$0x1830 ss:$0x81] =	vst.msk $0xffff, v6;
	v0 =	vld [tilespmem:s18+$0x30]  }
.LBB1_3:
0x41: {  	p1 =	sne.s32 s22, $0x1FC;
	v5 =	vld [tilespmem:s18+$0xFFFFFFD0];
	[tilespmem:s19+$0x2040 ss:$0x81] =	vst.msk $0xffff, v4  }
0x42: {  	v6 =	vld [tilespmem:s18+$0xFFFFFFE0];
	[tilespmem:s19+$0x2850 ss:$0x81] =	vst.msk $0xffff, v3  }
0x43: {  	s23 =	sshra.s32 s21, $0x2;
	s21 =	smov.u32 s22;
	v7 =	vld [tilespmem:s18+$0xFFFFFFF0];
	[tilespmem:s19+$0x3060 ss:$0x81] =	vst.msk $0xffff, v2  }
.Ltmp3:
0x44: {  	v4 =	vld [tilespmem:s18+$0x0];
	[tilespmem:s19+$0x0 ss:$0x81] =	vst.msk $0xffff, v1;
	s19 =	sadd.s32 s23, s20;
	(pc) =	sbr.rel @p1 .LBB1_3-.Ltmp3, $4  }
0x45: {  	v3 =	vld [tilespmem:s18+$0x10];
	[tilespmem:s19+$0x3870 ss:$0x81] =	vst.msk $0xffff, v0  }
0x46: {  	[tilespmem:s19+$0x810 ss:$0x81] =	vst.msk $0xffff, v5;
	v2 =	vld [tilespmem:s18+$0x20]  }
0x47: {  	v1 =	vld [tilespmem:s18+$0xFFFFFFC0];
	[tilespmem:s19+$0x1020 ss:$0x81] =	vst.msk $0xffff, v6;
	s18 =	sadd.s32 $0x80, s18  }
0x48: {  	s22 =	sadd.s32 $0x4, s22;
	v0 =	vld [tilespmem:s18+$0x30];
	[tilespmem:s19+$0x1830 ss:$0x81] =	vst.msk $0xffff, v7  }
0x49: {  	s21 =	sshra.s32 s21, $0x2;
	s28 =	sshll.u32 s7, $0xB;
	p1 =	sgt.s32 s10, $0x1F  }
0x4a: {  	s22 =	smov.u32 s10;
	s23 =	sshra.s32 s10, $0x1F;
	s24 =	sshll.u32 s9, $0x3  }
0x4b: {  	s26 =	smov.u32 s9;
	s27 =	sshra.s32 s9, $0x1F;
	s30 =	sshra.s32 s7, $0x1F  }
0x4c: {  	s20 =	sadd.s32 s21, s20;
	s22 =	simm.s32 @!p1 $0x1F;
	s23 =	sand.u32 s23, s10  }
0x4d: {  	s21 =	sand.u32 $0xFFFFC000, s28;
	s25 =	sand.u32 $0xFFFFFC00, s24;
	p1 =	sgt.s32 s7, $0x368  }
0x4e: {  	s29 =	sand.u32 s27, s9;
	s27 =	sshll.u32 s7, $0x7;
	s22 =	ssub.s32 s22, s23  }
0x4f: {  	s21 =	sadd.s32 s25, s21;
	s25 =	smov.u32 s7;
	s23 =	sadd.s32 $0xFFFFFFE1, s22  }
0x50: {  	s25 =	simm.s32 @!p1 $0x368;
	p1 =	sgt.s32 s9, $0x780;
	s21 =	sshrl.u32 s21, $0xB  }
0x51: {  	v5 =	vld [tilespmem:s18+$0xFFFFFFD0];
	[tilespmem:s19+$0x2040 ss:$0x81] =	vst.msk $0xffff, v4;
	s22 =	ssub.s32 $0x20, s22;
	s26 =	simm.s32 @!p1 $0x780;
	p1 =	sgt.s32 s23, $0x0  }
0x52: {  	v58 =	vld [tilespmem:s18+$0xFFFFFFE0];
	[tilespmem:s19+$0x2850 ss:$0x81] =	vst.msk $0xffff, v3;
	s28 =	smulhi.u32 $0x418938, s21;
	s23 =	ssub.s32 s26, s29;
	s26 =	sand.u32 s30, s7  }
0x53: {  	v59 =	vld [tilespmem:s18+$0xFFFFFFF0];
	[tilespmem:s19+$0x3060 ss:$0x81] =	vst.msk $0xffff, v2;
	s22 =	simm.s32 @p1 $0x0;
	s29 =	sand.u32 $0x78, s9;
	s30 =	sand.u32 $0x380, s27  }
0x54: {  	v60 =	vld [tilespmem:s18+$0x0];
	[tilespmem:s19+$0x0 ss:$0x81] =	vst.msk $0xffff, v1;
	s25 =	ssub.s32 s25, s26;
	s31 =	sadd.s32 $0xFFFFF880, s23;
	s23 =	ssub.s32 $0x800, s23  }
0x55: {  	v61 =	vld [tilespmem:s18+$0x10];
	[tilespmem:s20+$0x3870 ss:$0x81] =	vst.msk $0xffff, v0;
	s19 =	smul.u32 $0x3E8, s28;
	s28 =	sand.u32 $0x7, s9;
	p1 =	sgt.s32 s31, $0x7F  }
0x56: {  	v62 =	vld [tilespmem:s18+$0x20];
	[tilespmem:s20+$0x810 ss:$0x81] =	vst.msk $0xffff, v5;
	s26 =	sadd.s32 $0xFFFFFC98, s25;
	s31 =	sand.u32 $0x400, s24;
	s24 =	ssub.s32 $0x3E8, s25  }
0x57: {  	v63 =	vld [tilespmem:s18+$0xFFFFFFC0];
	[tilespmem:s20+$0x1020 ss:$0x81] =	vst.msk $0xffff, v58;
	s25 =	smul.u32 $0x3E800, s10;
	s23 =	simm.s32 @p1 $0x0;
	p1 =	sgt.s32 s26, $0x7F  }
0x58: {  	[tilespmem:s20+$0x1830 ss:$0x81] =	vst.msk $0xffff, v59;
	s18 =	sor.u32 s29, s31;
	s19 =	ssub.s32 s21, s19;
	s22 =	smul.u32 s22, s23  }
.Ltmp4:
0x59: {  	[tilespmem:s20+$0x2040 ss:$0x81] =	vst.msk $0xffff, v60;
	s24 =	simm.s32 @p1 $0x0;
	s18 =	sor.u32 s30, s18;
	(pc) =	sbr.rel .LBB1_5-.Ltmp4, $4  }
0x5a: {  	[tilespmem:s20+$0x2850 ss:$0x81] =	vst.msk $0xffff, v61;
	s27 =	sadd.s32 s2, s25;
	s18 =	sshrl.u32 s18, $0x3;
	s26 =	smul.u32 s24, s22  }
0x5b: {  	[tilespmem:s20+$0x3060 ss:$0x81] =	vst.msk $0xffff, v62;
	s29 =	sshll.u32 s28, $0x12;
	s19 =	sshll.u32 s19, $0x8;
	s18 =	sadd.s32 s18, s27  }
0x5c: {  	[tilespmem:s20+$0x0 ss:$0x81] =	vst.msk $0xffff, v63;
	s31 =	sor.u32 $0x400, s29;
	s18 =	sadd.s32 s19, s18;
	s30 =	sand.u32 $0x3FFFFFFF, s26  }
0x5d: {  	[hbm4b:s18+s31] =	stream.strided.scatter [tilespmem:s17], [sflag:$0x2], s30, s6, s31, $0x20;
	[tilespmem:$0x10100] =	vst v63  }
.LBB1_6:
0x5e: {  	_ =	sfence.sel $0x180000  }
0x5f: {  	s2 =	simm.s32 $0x1;
	[bflag:$0x0] =	sbarrier.arrive $0xFFFF  }
0x60: {  	s31 =	simm.s32 $0x2;
	[sflag:s2] =	ssyncpa.u1 $0x1  }
0x61: {  	[sflag:s31] =	ssyncpa.u1 $0x1  }
0x62: {  	p0 =	sne.s32 s1, $0x0;
	_ =	strace $0x9000004A  }
0x63: {  	s0 =	sadd.s32 @!p0 $0x100000, s0;
	[bflag:$0x2] =	sbarrier.arrive $0xFFFF  }
0x64: {  	[sflag:s0] =	ssyncadd.tile.s32 @!p0 $0x1;
	_ =	shalt  }
.Lfunc_end1:
_tile_overlayer_lowered:
.L_overlay_start_2:
0x65: {  	(tag) =	ssettag $0x2  }
0x66: {  	s0 =	rddreg [dreg:$0x0];
	s2 =	stileid.u32  }
0x67: {  	s1 =	rddreg [dreg:$0x1];
	p0 =	sne.s32 s2, $0x0  }
0x68: {  	s3 =	rddreg [dreg:$0x2];
	[bflag:$0x3] =	sbarrier.arrive $0xFFFF;
	s2 =	simm.s32 @!p0 $0x1C01  }
0x69: {  	[timem:s3], [sflag:s2] =	dma.local @!p0 [hbm:s0], s1  }
0x6a: {  	s0 =	simm.s32 @!p0 $0x1  }
0x6b: {  	_ =	swait.ge @!p0 [sflag:s0], s1  }
0x6c: {  	s1 =	ssub.s32 @!p0 $0x0, s1;
	[sflag:s0] =	ssyncset.done @!p0 $0x0  }
0x6d: {  	[sflag:s0] =	ssyncadd.s32 @!p0 s1  }
0x6e: {  	[bflag:$0x3] =	sbarrier.arrive $0xFFFF  }
0x6f: {  	_ =	shalt  }

</sc_bundles>
